<compile_context>
chip_gen: v7x
topology: tpu7x:2x2x1
jax: 0.10.2.dev20260603
libtpu: 0.0.44.dev20260713+nightly
codegen_flags: <defaults>
</compile_context>

<pallas_src>
import functools

import jax
import jax.numpy as jnp
from jax import lax
from jax.experimental import pallas as pl
from jax.experimental.pallas import tpu as pltpu
from jax.experimental.pallas import tpu_sc as plsc

NC = 2
NS = 16

F32 = jnp.float32
_PREC = jax.lax.Precision.HIGHEST


@functools.partial(jax.jit, static_argnames=("n_ch", "ch"))
def _sc_seg_sum(h2, src_t, dst_t, zeros_nf, *, n_ch, ch):
    _, n, fh = h2.shape
    n_pad = zeros_nf.shape[0]
    rows_per_tile = n_pad // NS
    mesh = plsc.VectorSubcoreMesh(core_axis_name="c", subcore_axis_name="s")

    @functools.partial(
        pl.kernel,
        out_type=jax.ShapeDtypeStruct((NC, n_pad, fh), F32),
        mesh=mesh,
        scratch_types=[
            pltpu.VMEM((n_ch, ch), jnp.int32),
            pltpu.VMEM((n_ch, ch), jnp.int32),
            pltpu.VMEM((2, ch, fh), F32),
            pltpu.VMEM_SHARED((n_pad, fh), F32),
            pltpu.SemaphoreType.DMA((2,)),
            pltpu.SemaphoreType.DMA((2,)),
        ],
        compiler_params=pltpu.CompilerParams(use_tc_tiling_on_sc=False),
    )
    def k(h_hbm, src_hbm, dst_hbm, zero_hbm, out_hbm, sidx, didx, rows, acc,
          gsem, ssem):
        c = lax.axis_index("c")
        s = lax.axis_index("s")
        hv = h_hbm.at[c]
        r0 = s * rows_per_tile
        pltpu.sync_copy(zero_hbm.at[pl.ds(r0, rows_per_tile)],
                        acc.at[pl.ds(r0, rows_per_tile)])
        pltpu.sync_copy(src_hbm.at[s], sidx)
        pltpu.sync_copy(dst_hbm.at[s], didx)
        plsc.subcore_barrier()

        def gather_start(i, slot):
            pltpu.async_copy(hv.at[sidx.at[i]], rows.at[slot], gsem.at[slot])

        def gather_wait(i, slot):
            pltpu.make_async_copy(hv.at[sidx.at[i]], rows.at[slot],
                                  gsem.at[slot]).wait()

        def scat_start(i, slot):
            pltpu.async_copy(rows.at[slot], acc.at[didx.at[i]],
                             ssem.at[slot], add=True)

        def scat_wait(i, slot):
            pltpu.make_async_copy(rows.at[slot], acc.at[didx.at[i]],
                                  ssem.at[slot]).wait()

        gather_start(0, 0)

        def body(i, _):
            slot = lax.rem(i, 2)
            nslot = lax.rem(i + 1, 2)
            gather_wait(i, slot)
            scat_start(i, slot)

            @pl.when(i >= 1)
            def _():
                scat_wait(i - 1, nslot)

            @pl.when(i + 1 < n_ch)
            def _():
                gather_start(i + 1, nslot)

            return 0

        lax.fori_loop(0, n_ch, body, 0, unroll=False)
        scat_wait(n_ch - 1, (n_ch - 1) % 2)
        plsc.subcore_barrier()
        pltpu.sync_copy(acc.at[pl.ds(r0, rows_per_tile)],
                        out_hbm.at[c, pl.ds(r0, rows_per_tile)])

    return k(h2, src_t, dst_t, zeros_nf)


def _tc_mlp_layer(h2, agg, batch2d, w1s, b1, w2bd, b2, scale, *, bn):
    _, n, fh_in = h2.shape
    f_in = 2 * fh_in
    f_out = w2bd.shape[1]
    fh_out = f_out // 2
    b = 128
    grid = (n // bn,)

    def body(h_ref, agg_ref, bt_ref, w1_ref, b1_ref, w2_ref, b2_ref, sc_ref,
             hout_ref, pool_ref):
        i = pl.program_id(0)
        a = jnp.concatenate([agg_ref[0], agg_ref[1]], axis=-1)
        hcat = jnp.concatenate([h_ref[0], h_ref[1]], axis=-1)
        if f_in == f_out:
            pre = hcat * sc_ref[...] + a
            z = jnp.dot(pre, w1_ref[...], preferred_element_type=F32,
                        precision=_PREC)
        else:
            xw = jnp.dot(hcat, w1_ref[...], preferred_element_type=F32,
                         precision=_PREC)
            aw = jnp.dot(a, w1_ref[...], preferred_element_type=F32,
                         precision=_PREC)
            z = xw * sc_ref[...] + aw
        z = jnp.maximum(z + b1_ref[...], 0.0)
        z = jnp.dot(z, w2_ref[...], preferred_element_type=F32,
                    precision=_PREC) + b2_ref[...]
        hout_ref[0] = z[:, :fh_out]
        hout_ref[1] = z[:, fh_out:]
        onehot = (bt_ref[...] == lax.broadcasted_iota(jnp.int32, (bn, b), 1)
                  ).astype(F32)
        contrib = lax.dot_general(onehot, z, (((0,), (0,)), ((), ())),
                                  preferred_element_type=F32,
                                  precision=_PREC)

        @pl.when(i == 0)
        def _():
            pool_ref[...] = jnp.zeros_like(pool_ref)

        pool_ref[...] += contrib

    return pl.pallas_call(
        body,
        grid=grid,
        in_specs=[
            pl.BlockSpec((2, bn, fh_in), lambda i: (0, i, 0)),
            pl.BlockSpec((2, bn, fh_in), lambda i: (0, i, 0)),
            pl.BlockSpec((bn, 1), lambda i: (i, 0)),
            pl.BlockSpec((f_in, f_out), lambda i: (0, 0)),
            pl.BlockSpec((1, f_out), lambda i: (0, 0)),
            pl.BlockSpec((f_out, f_out), lambda i: (0, 0)),
            pl.BlockSpec((1, f_out), lambda i: (0, 0)),
            pl.BlockSpec((1, f_out), lambda i: (0, 0)),
        ],
        out_specs=[
            pl.BlockSpec((2, bn, fh_out), lambda i: (0, i, 0)),
            pl.BlockSpec((b, f_out), lambda i: (0, 0)),
        ],
        out_shape=[
            jax.ShapeDtypeStruct((2, n, fh_out), F32),
            jax.ShapeDtypeStruct((b, f_out), F32),
        ],
    )(h2, agg, batch2d, w1s, b1, w2bd, b2, scale)


def _tc_assemble(pools, center2d, *, t_enc, hid, n_lay):
    b = pools.shape[1]
    width = t_enc * hid * n_lay

    def body(p_ref, c_ref, o_ref):
        for t in range(t_enc):
            for l in range(n_lay):
                blk = p_ref[l, :, t * hid:(t + 1) * hid]
                if t == 0:
                    blk = blk + c_ref[:, l * hid:(l + 1) * hid]
                o_ref[:, t * hid * n_lay + l * hid:
                      t * hid * n_lay + (l + 1) * hid] = blk

    return pl.pallas_call(
        body,
        out_shape=jax.ShapeDtypeStruct((b, width), F32),
    )(pools, center2d)


def kernel(x, edge_index, batch, params, center):
    n, d = x.shape
    e = edge_index.shape[1]
    t_enc = len(params)
    n_lay = len(params[0])
    hid = params[0][0]["W2"].shape[1]
    fe = t_enc * hid
    nb = 128

    ch = 80
    e_per_t = e // NS
    n_ch = e_per_t // ch
    assert e_per_t * NS == e and n_ch * ch == e_per_t
    src_t = edge_index[0].reshape(NS, n_ch, ch)
    dst_t = edge_index[1].reshape(NS, n_ch, ch)
    batch2d = batch.reshape(n, 1)
    n_pad = -(-n // (8 * NS)) * (8 * NS)
    zeros_d = jnp.zeros((n_pad, d // 2), F32)
    zeros_fe = jnp.zeros((n_pad, fe // 2), F32)
    x2 = jnp.stack([x[:, :d // 2], x[:, d // 2:]])

    w1_cat0 = jnp.concatenate([params[t][0]["W1"] for t in range(t_enc)], 1)
    w1_bd = [jax.scipy.linalg.block_diag(*[params[t][l]["W1"]
                                           for t in range(t_enc)])
             for l in range(1, n_lay)]
    w2_bd = [jax.scipy.linalg.block_diag(*[params[t][l]["W2"]
                                           for t in range(t_enc)])
             for l in range(n_lay)]
    b1 = [jnp.concatenate([params[t][l]["b1"] for t in range(t_enc)])
          .reshape(1, fe) for l in range(n_lay)]
    b2 = [jnp.concatenate([params[t][l]["b2"] for t in range(t_enc)])
          .reshape(1, fe) for l in range(n_lay)]
    scale = [jnp.repeat(jnp.stack([1.0 + params[t][l]["eps"]
                                   for t in range(t_enc)]), hid)
             .reshape(1, fe) for l in range(n_lay)]

    bn = 1000
    agg0 = _sc_seg_sum(x2, src_t, dst_t, zeros_d, n_ch=n_ch, ch=ch)
    h2, pool0 = _tc_mlp_layer(x2, agg0, batch2d, w1_cat0, b1[0], w2_bd[0],
                              b2[0], scale[0], bn=bn)
    pools = [pool0]
    for l in range(1, n_lay):
        agg = _sc_seg_sum(h2, src_t, dst_t, zeros_fe, n_ch=n_ch, ch=ch)
        h2, pool_l = _tc_mlp_layer(h2, agg, batch2d, w1_bd[l - 1], b1[l],
                                   w2_bd[l], b2[l], scale[l], bn=bn)
        pools.append(pool_l)

    z2d = _tc_assemble(jnp.stack(pools), center.reshape(1, hid * n_lay),
                       t_enc=t_enc, hid=hid, n_lay=n_lay)
    z_cat = z2d.reshape(nb, t_enc, hid * n_lay)
    return (z_cat, center)

# --- scband reference (transcript-rebuilt; emitter-appended) ---
"""Pipeline reference for scband-ocgtl-89326729822264 (READ-ONLY COPY).

The authoritative reference and input builder live on the scoring server;
editing this copy changes nothing except your own understanding.
"""

import jax, jax.numpy as jnp
import numpy as np

N = 10000
E = 320000
D = 128
HID = 32
L = 4
T = 6
B = 128


def setup_inputs(seed: int = 0) -> dict:
    key = jax.random.key(seed)
    ks = jax.random.split(key, 4)
    x = jax.random.normal(ks[0], (N, D), dtype=jnp.float32)
    edge_index = jax.random.randint(ks[1], (2, E), 0, N, dtype=jnp.int32)
    batch = jnp.sort(jax.random.randint(ks[2], (N,), 0, B, dtype=jnp.int32))
    # learned parameters: T independent GINs, each with L GINConv layers
    params = []
    pk = ks[3]
    for t in range(T):
        layers = []
        for l in range(L):
            d_in = D if l == 0 else HID
            pk, k1, k2, k3, k4 = jax.random.split(pk, 5)
            layers.append({
                'W1': jax.random.normal(k1, (d_in, HID), dtype=jnp.float32) / np.sqrt(d_in),
                'b1': jnp.zeros((HID,), dtype=jnp.float32),
                'W2': jax.random.normal(k2, (HID, HID), dtype=jnp.float32) / np.sqrt(HID),
                'b2': jnp.zeros((HID,), dtype=jnp.float32),
                'eps': jnp.zeros((), dtype=jnp.float32),
            })
        params.append(layers)
    pk, ck = jax.random.split(pk)
    center = jax.random.normal(ck, (1, 1, HID * L), dtype=jnp.float32)
    return {'x': x, 'edge_index': edge_index, 'batch': batch, 'params': params, 'center': center}


def _gin(x, src, dst, batch, layers):
    h = x
    pools = []
    for p in layers:
        # GINConv with add aggregation: h = MLP((1+eps)*h + sum_{j in N(i)} h_j)
        agg = jax.ops.segment_sum(h[src], dst, num_segments=h.shape[0])
        h = (1.0 + p['eps']) * h + agg
        h = jnp.maximum(h @ p['W1'] + p['b1'], 0.0)
        h = h @ p['W2'] + p['b2']
        # global add pool per layer (jumping knowledge concat)
        pools.append(jax.ops.segment_sum(h, batch, num_segments=B))
    return jnp.concatenate(pools, axis=-1)


def reference(x, edge_index, batch, params, center):
    src = edge_index[0]
    dst = edge_index[1]
    zs = []
    for t in range(T):
        z = _gin(x, src, dst, batch, params[t])
        zs.append(z[:, None, :])
    z_cat = jnp.concatenate(zs, axis=1)
    z_cat = z_cat.at[:, 0].add(center[:, 0])
    return (z_cat, center)

if __name__ == "__main__":
    import jax
    _d = setup_inputs()
    print(jax.jit(kernel)(*tuple(_d.values())))

</pallas_src>

<mosaic_0001>
#map = affine_map<(d0, d1) -> (0, 0, 0)>
#map1 = affine_map<(d0, d1) -> (0, 0)>
module attributes {stable_mosaic.version = 14 : i64} {
  func.func @k(%arg0: i32, %arg1: i32, %arg2: memref<2x10000x64xf32, #tpu.memory_space<hbm>>, %arg3: memref<16x250x80xi32, #tpu.memory_space<hbm>>, %arg4: memref<16x250x80xi32, #tpu.memory_space<hbm>>, %arg5: memref<10112x64xf32, #tpu.memory_space<hbm>>, %arg6: memref<2x10112x64xf32, #tpu.memory_space<hbm>>, %arg7: memref<250x80xi32, #tpu.memory_space<vmem>>, %arg8: memref<250x80xi32, #tpu.memory_space<vmem>>, %arg9: memref<2x80x64xf32, #tpu.memory_space<vmem>>, %arg10: memref<10112x64xf32, #tpu.memory_space<vmem_shared>>, %arg11: memref<2x!tpu.dma_semaphore, #tpu.memory_space<semaphore_mem>>, %arg12: memref<2x!tpu.dma_semaphore, #tpu.memory_space<semaphore_mem>>) attributes {dimension_semantics = [#tpu.dimension_semantics<core_parallel>, #tpu.dimension_semantics<subcore_parallel>], iteration_bounds = array<i64: 2, 16>, scalar_prefetch = 0 : i64, scratch_operands = 6 : i64, tpu.core_type = #tpu.core_type<sc_vector_subcore>, window_params = [{transform_indices = #map}, {transform_indices = #map}, {transform_indices = #map}, {transform_indices = #map1}, {transform_indices = #map}]} {
    %mul3A = arith.constant 632 : i32
    %mul3A_0 = arith.muli %arg1, %mul3A : i32
    "tpu.region"() ({
      %run_scoped3A = tpu.sem_alloc : memref<!tpu.dma_semaphore, #tpu.memory_space<semaphore_mem>>
      %dma_start3A_40 = arith.constant 0 : i32
      %dma_start3A_41 = tpu.memref_slice %arg10[%mul3A_0, %dma_start3A_40] : memref<10112x64xf32, #tpu.memory_space<vmem_shared>> -> memref<632x64xf32, #tpu.memory_space<vmem_shared>>
      %dma_start3A_42 = arith.constant 0 : i32
      %dma_start3A_43 = tpu.memref_slice %arg5[%mul3A_0, %dma_start3A_42] : memref<10112x64xf32, #tpu.memory_space<hbm>> -> memref<632x64xf32, #tpu.memory_space<hbm>>
      tpu.enqueue_dma source(%dma_start3A_43 : memref<632x64xf32, #tpu.memory_space<hbm>>) target(%dma_start3A_41 : memref<632x64xf32, #tpu.memory_space<vmem_shared>>) target_semaphore(%run_scoped3A : memref<!tpu.dma_semaphore, #tpu.memory_space<semaphore_mem>>)
      %dma_wait3A_44 = arith.constant 0 : i32
      %dma_wait3A_45 = tpu.memref_slice %arg10[%mul3A_0, %dma_wait3A_44] : memref<10112x64xf32, #tpu.memory_space<vmem_shared>> -> memref<632x64xf32, #tpu.memory_space<vmem_shared>>
      %dma_wait3A_46 = arith.constant 0 : i32
      %dma_wait3A_47 = tpu.memref_slice %arg5[%mul3A_0, %dma_wait3A_46] : memref<10112x64xf32, #tpu.memory_space<hbm>> -> memref<632x64xf32, #tpu.memory_space<hbm>>
      tpu.wait_dma2 semaphore(%run_scoped3A : memref<!tpu.dma_semaphore, #tpu.memory_space<semaphore_mem>>) src(%dma_wait3A_47 : memref<632x64xf32, #tpu.memory_space<hbm>>) dst(%dma_wait3A_45 : memref<632x64xf32, #tpu.memory_space<vmem_shared>>)
      tpu.yield
    }) : () -> ()
    "tpu.region"() ({
      %run_scoped3A = tpu.sem_alloc : memref<!tpu.dma_semaphore, #tpu.memory_space<semaphore_mem>>
      %dma_start3A_40 = arith.constant 0 : i32
      %dma_start3A_41 = arith.constant 0 : i32
      %dma_start3A_42 = tpu.memref_slice %arg3[%arg1, %dma_start3A_40, %dma_start3A_41] : memref<16x250x80xi32, #tpu.memory_space<hbm>> -> memref<1x250x80xi32, #tpu.memory_space<hbm>>
      %dma_start3A_43 = tpu.memref_squeeze %dma_start3A_42 : memref<1x250x80xi32, #tpu.memory_space<hbm>> -> memref<250x80xi32, #tpu.memory_space<hbm>>
      %dma_start3A_44 = arith.constant 0 : i32
      %dma_start3A_45 = arith.constant 0 : i32
      %dma_start3A_46 = tpu.memref_slice %arg3[%arg1, %dma_start3A_44, %dma_start3A_45] : memref<16x250x80xi32, #tpu.memory_space<hbm>> -> memref<1x250x80xi32, #tpu.memory_space<hbm>>
      %dma_start3A_47 = tpu.memref_squeeze %dma_start3A_46 : memref<1x250x80xi32, #tpu.memory_space<hbm>> -> memref<250x80xi32, #tpu.memory_space<hbm>>
      tpu.enqueue_dma source(%dma_start3A_47 : memref<250x80xi32, #tpu.memory_space<hbm>>) target(%arg7 : memref<250x80xi32, #tpu.memory_space<vmem>>) target_semaphore(%run_scoped3A : memref<!tpu.dma_semaphore, #tpu.memory_space<semaphore_mem>>)
      %dma_wait3A_48 = arith.constant 0 : i32
      %dma_wait3A_49 = arith.constant 0 : i32
      %dma_wait3A_50 = tpu.memref_slice %arg3[%arg1, %dma_wait3A_48, %dma_wait3A_49] : memref<16x250x80xi32, #tpu.memory_space<hbm>> -> memref<1x250x80xi32, #tpu.memory_space<hbm>>
      %dma_wait3A_51 = tpu.memref_squeeze %dma_wait3A_50 : memref<1x250x80xi32, #tpu.memory_space<hbm>> -> memref<250x80xi32, #tpu.memory_space<hbm>>
      %dma_wait3A_52 = arith.constant 0 : i32
      %dma_wait3A_53 = arith.constant 0 : i32
      %dma_wait3A_54 = tpu.memref_slice %arg3[%arg1, %dma_wait3A_52, %dma_wait3A_53] : memref<16x250x80xi32, #tpu.memory_space<hbm>> -> memref<1x250x80xi32, #tpu.memory_space<hbm>>
      %dma_wait3A_55 = tpu.memref_squeeze %dma_wait3A_54 : memref<1x250x80xi32, #tpu.memory_space<hbm>> -> memref<250x80xi32, #tpu.memory_space<hbm>>
      tpu.wait_dma2 semaphore(%run_scoped3A : memref<!tpu.dma_semaphore, #tpu.memory_space<semaphore_mem>>) src(%dma_wait3A_55 : memref<250x80xi32, #tpu.memory_space<hbm>>) dst(%arg7 : memref<250x80xi32, #tpu.memory_space<vmem>>)
      tpu.yield
    }) : () -> ()
    "tpu.region"() ({
      %run_scoped3A = tpu.sem_alloc : memref<!tpu.dma_semaphore, #tpu.memory_space<semaphore_mem>>
      %dma_start3A_40 = arith.constant 0 : i32
      %dma_start3A_41 = arith.constant 0 : i32
      %dma_start3A_42 = tpu.memref_slice %arg4[%arg1, %dma_start3A_40, %dma_start3A_41] : memref<16x250x80xi32, #tpu.memory_space<hbm>> -> memref<1x250x80xi32, #tpu.memory_space<hbm>>
      %dma_start3A_43 = tpu.memref_squeeze %dma_start3A_42 : memref<1x250x80xi32, #tpu.memory_space<hbm>> -> memref<250x80xi32, #tpu.memory_space<hbm>>
      %dma_start3A_44 = arith.constant 0 : i32
      %dma_start3A_45 = arith.constant 0 : i32
      %dma_start3A_46 = tpu.memref_slice %arg4[%arg1, %dma_start3A_44, %dma_start3A_45] : memref<16x250x80xi32, #tpu.memory_space<hbm>> -> memref<1x250x80xi32, #tpu.memory_space<hbm>>
      %dma_start3A_47 = tpu.memref_squeeze %dma_start3A_46 : memref<1x250x80xi32, #tpu.memory_space<hbm>> -> memref<250x80xi32, #tpu.memory_space<hbm>>
      tpu.enqueue_dma source(%dma_start3A_47 : memref<250x80xi32, #tpu.memory_space<hbm>>) target(%arg8 : memref<250x80xi32, #tpu.memory_space<vmem>>) target_semaphore(%run_scoped3A : memref<!tpu.dma_semaphore, #tpu.memory_space<semaphore_mem>>)
      %dma_wait3A_48 = arith.constant 0 : i32
      %dma_wait3A_49 = arith.constant 0 : i32
      %dma_wait3A_50 = tpu.memref_slice %arg4[%arg1, %dma_wait3A_48, %dma_wait3A_49] : memref<16x250x80xi32, #tpu.memory_space<hbm>> -> memref<1x250x80xi32, #tpu.memory_space<hbm>>
      %dma_wait3A_51 = tpu.memref_squeeze %dma_wait3A_50 : memref<1x250x80xi32, #tpu.memory_space<hbm>> -> memref<250x80xi32, #tpu.memory_space<hbm>>
      %dma_wait3A_52 = arith.constant 0 : i32
      %dma_wait3A_53 = arith.constant 0 : i32
      %dma_wait3A_54 = tpu.memref_slice %arg4[%arg1, %dma_wait3A_52, %dma_wait3A_53] : memref<16x250x80xi32, #tpu.memory_space<hbm>> -> memref<1x250x80xi32, #tpu.memory_space<hbm>>
      %dma_wait3A_55 = tpu.memref_squeeze %dma_wait3A_54 : memref<1x250x80xi32, #tpu.memory_space<hbm>> -> memref<250x80xi32, #tpu.memory_space<hbm>>
      tpu.wait_dma2 semaphore(%run_scoped3A : memref<!tpu.dma_semaphore, #tpu.memory_space<semaphore_mem>>) src(%dma_wait3A_55 : memref<250x80xi32, #tpu.memory_space<hbm>>) dst(%arg8 : memref<250x80xi32, #tpu.memory_space<vmem>>)
      tpu.yield
    }) : () -> ()
    %barrier3A = arith.constant 0 : index
    tpu.barrier barrier_id(%barrier3A)
    %dma_start3A = arith.constant 0 : i32
    %dma_start3A_1 = arith.constant 0 : i32
    %dma_start3A_2 = arith.constant 0 : i32
    %dma_start3A_3 = arith.constant 0 : i32
    %dma_start3A_4 = arith.constant 0 : i32
    %dma_start3A_5 = tpu.memref_slice %arg9[%dma_start3A_1, %dma_start3A_3, %dma_start3A_4] : memref<2x80x64xf32, #tpu.memory_space<vmem>> -> memref<1x80x64xf32, #tpu.memory_space<vmem>>
    %dma_start3A_6 = tpu.memref_squeeze %dma_start3A_5 : memref<1x80x64xf32, #tpu.memory_space<vmem>> -> memref<80x64xf32, #tpu.memory_space<vmem>>
    %dma_start3A_7 = arith.constant 0 : i32
    %dma_start3A_8 = tpu.memref_slice %arg7[%dma_start3A, %dma_start3A_7] : memref<250x80xi32, #tpu.memory_space<vmem>> -> memref<1x80xi32, #tpu.memory_space<vmem>>
    %dma_start3A_9 = tpu.memref_squeeze %dma_start3A_8 : memref<1x80xi32, #tpu.memory_space<vmem>> -> memref<80xi32, #tpu.memory_space<vmem>>
    %dma_start3A_10 = arith.constant 0 : i32
    %dma_start3A_11 = arith.constant 0 : i32
    %dma_start3A_12 = tpu.memref_slice %arg2[%arg0, %dma_start3A_10, %dma_start3A_11] : memref<2x10000x64xf32, #tpu.memory_space<hbm>> -> memref<1x10000x64xf32, #tpu.memory_space<hbm>>
    %dma_start3A_13 = tpu.memref_squeeze %dma_start3A_12 : memref<1x10000x64xf32, #tpu.memory_space<hbm>> -> memref<10000x64xf32, #tpu.memory_space<hbm>>
    %dma_start3A_14 = arith.constant 0 : i32
    %dma_start3A_15 = arith.constant 0 : i32
    %dma_start3A_16 = tpu.memref_slice %dma_start3A_13[%dma_start3A_14, %dma_start3A_15] : memref<10000x64xf32, #tpu.memory_space<hbm>> -> memref<10000x64xf32, #tpu.memory_space<hbm>>
    %dma_start3A_17 = tpu.memref_slice %arg11[%dma_start3A_2] : memref<2x!tpu.dma_semaphore, #tpu.memory_space<semaphore_mem>> -> memref<1x!tpu.dma_semaphore, #tpu.memory_space<semaphore_mem>>
    %dma_start3A_18 = tpu.memref_squeeze %dma_start3A_17 : memref<1x!tpu.dma_semaphore, #tpu.memory_space<semaphore_mem>> -> memref<!tpu.dma_semaphore, #tpu.memory_space<semaphore_mem>>
    tpu.enqueue_indirect_dma source(%dma_start3A_16 : memref<10000x64xf32, #tpu.memory_space<hbm>>) target(%dma_start3A_6 : memref<80x64xf32, #tpu.memory_space<vmem>>) offsets(%dma_start3A_9 : memref<80xi32, #tpu.memory_space<vmem>>) semaphore(%dma_start3A_18 : memref<!tpu.dma_semaphore, #tpu.memory_space<semaphore_mem>>)
    %scan3A = arith.constant 0 : i32
    %scan3A_19 = arith.constant 0 : i32
    %scan3A_20 = arith.constant 250 : i32
    %scan3A_21 = arith.addi %scan3A_19, %scan3A_20 : i32
    %scan3A_22 = arith.constant 1 : i32
    %scan3A_23 = scf.for %scan3A_40 = %scan3A_19 to %scan3A_21 step %scan3A_22 iter_args(%scan3A_41 = %scan3A) -> (i32)  : i32 {
      %rem3A = arith.constant 2 : i32
      %rem3A_42 = arith.remsi %scan3A_40, %rem3A : i32
      %add3A = arith.constant 1 : i32
      %add3A_43 = arith.addi %scan3A_40, %add3A : i32
      %rem3A_44 = arith.constant 2 : i32
      %rem3A_45 = arith.remsi %add3A_43, %rem3A_44 : i32
      %dma_wait3A_46 = arith.constant 0 : i32
      %dma_wait3A_47 = arith.constant 0 : i32
      %dma_wait3A_48 = tpu.memref_slice %arg9[%rem3A_42, %dma_wait3A_46, %dma_wait3A_47] : memref<2x80x64xf32, #tpu.memory_space<vmem>> -> memref<1x80x64xf32, #tpu.memory_space<vmem>>
      %dma_wait3A_49 = tpu.memref_squeeze %dma_wait3A_48 : memref<1x80x64xf32, #tpu.memory_space<vmem>> -> memref<80x64xf32, #tpu.memory_space<vmem>>
      %dma_wait3A_50 = arith.constant 0 : i32
      %dma_wait3A_51 = tpu.memref_slice %arg7[%scan3A_40, %dma_wait3A_50] : memref<250x80xi32, #tpu.memory_space<vmem>> -> memref<1x80xi32, #tpu.memory_space<vmem>>
      %dma_wait3A_52 = tpu.memref_squeeze %dma_wait3A_51 : memref<1x80xi32, #tpu.memory_space<vmem>> -> memref<80xi32, #tpu.memory_space<vmem>>
      %dma_wait3A_53 = arith.constant 0 : i32
      %dma_wait3A_54 = arith.constant 0 : i32
      %dma_wait3A_55 = tpu.memref_slice %arg2[%arg0, %dma_wait3A_53, %dma_wait3A_54] : memref<2x10000x64xf32, #tpu.memory_space<hbm>> -> memref<1x10000x64xf32, #tpu.memory_space<hbm>>
      %dma_wait3A_56 = tpu.memref_squeeze %dma_wait3A_55 : memref<1x10000x64xf32, #tpu.memory_space<hbm>> -> memref<10000x64xf32, #tpu.memory_space<hbm>>
      %dma_wait3A_57 = arith.constant 0 : i32
      %dma_wait3A_58 = arith.constant 0 : i32
      %dma_wait3A_59 = tpu.memref_slice %dma_wait3A_56[%dma_wait3A_57, %dma_wait3A_58] : memref<10000x64xf32, #tpu.memory_space<hbm>> -> memref<10000x64xf32, #tpu.memory_space<hbm>>
      %dma_wait3A_60 = tpu.memref_slice %arg11[%rem3A_42] : memref<2x!tpu.dma_semaphore, #tpu.memory_space<semaphore_mem>> -> memref<1x!tpu.dma_semaphore, #tpu.memory_space<semaphore_mem>>
      %dma_wait3A_61 = tpu.memref_squeeze %dma_wait3A_60 : memref<1x!tpu.dma_semaphore, #tpu.memory_space<semaphore_mem>> -> memref<!tpu.dma_semaphore, #tpu.memory_space<semaphore_mem>>
      tpu.wait_indirect_dma semaphore(%dma_wait3A_61 : memref<!tpu.dma_semaphore, #tpu.memory_space<semaphore_mem>>) src(%dma_wait3A_59 : memref<10000x64xf32, #tpu.memory_space<hbm>>) dst(%dma_wait3A_49 : memref<80x64xf32, #tpu.memory_space<vmem>>)
      %dma_start3A_62 = arith.constant 0 : i32
      %dma_start3A_63 = arith.constant 0 : i32
      %dma_start3A_64 = tpu.memref_slice %arg9[%rem3A_42, %dma_start3A_62, %dma_start3A_63] : memref<2x80x64xf32, #tpu.memory_space<vmem>> -> memref<1x80x64xf32, #tpu.memory_space<vmem>>
      %dma_start3A_65 = tpu.memref_squeeze %dma_start3A_64 : memref<1x80x64xf32, #tpu.memory_space<vmem>> -> memref<80x64xf32, #tpu.memory_space<vmem>>
      %dma_start3A_66 = arith.constant 0 : i32
      %dma_start3A_67 = tpu.memref_slice %arg8[%scan3A_40, %dma_start3A_66] : memref<250x80xi32, #tpu.memory_space<vmem>> -> memref<1x80xi32, #tpu.memory_space<vmem>>
      %dma_start3A_68 = tpu.memref_squeeze %dma_start3A_67 : memref<1x80xi32, #tpu.memory_space<vmem>> -> memref<80xi32, #tpu.memory_space<vmem>>
      %dma_start3A_69 = arith.constant 0 : i32
      %dma_start3A_70 = arith.constant 0 : i32
      %dma_start3A_71 = tpu.memref_slice %arg10[%dma_start3A_69, %dma_start3A_70] : memref<10112x64xf32, #tpu.memory_space<vmem_shared>> -> memref<10112x64xf32, #tpu.memory_space<vmem_shared>>
      %dma_start3A_72 = tpu.memref_slice %arg12[%rem3A_42] : memref<2x!tpu.dma_semaphore, #tpu.memory_space<semaphore_mem>> -> memref<1x!tpu.dma_semaphore, #tpu.memory_space<semaphore_mem>>
      %dma_start3A_73 = tpu.memref_squeeze %dma_start3A_72 : memref<1x!tpu.dma_semaphore, #tpu.memory_space<semaphore_mem>> -> memref<!tpu.dma_semaphore, #tpu.memory_space<semaphore_mem>>
      tpu.enqueue_indirect_dma source(%dma_start3A_65 : memref<80x64xf32, #tpu.memory_space<vmem>>) target(%dma_start3A_71 : memref<10112x64xf32, #tpu.memory_space<vmem_shared>>) offsets(%dma_start3A_68 : memref<80xi32, #tpu.memory_space<vmem>>) semaphore(%dma_start3A_73 : memref<!tpu.dma_semaphore, #tpu.memory_space<semaphore_mem>>) {add = true}
      %ge3A = arith.constant 1 : i32
      %ge3A_74 = arith.cmpi sge, %scan3A_40, %ge3A : i32
      %convert_element_type3A = arith.extui %ge3A_74 : i1 to i32
      %cond3A = arith.constant 0 : i32
      %cond3A_75 = arith.cmpi ne, %convert_element_type3A, %cond3A : i32
      scf.if %cond3A_75 {
        %sub3A = arith.constant 1 : i32
        %sub3A_83 = arith.subi %scan3A_40, %sub3A : i32
        %dma_wait3A_84 = arith.constant 0 : i32
        %dma_wait3A_85 = arith.constant 0 : i32
        %dma_wait3A_86 = tpu.memref_slice %arg9[%rem3A_45, %dma_wait3A_84, %dma_wait3A_85] : memref<2x80x64xf32, #tpu.memory_space<vmem>> -> memref<1x80x64xf32, #tpu.memory_space<vmem>>
        %dma_wait3A_87 = tpu.memref_squeeze %dma_wait3A_86 : memref<1x80x64xf32, #tpu.memory_space<vmem>> -> memref<80x64xf32, #tpu.memory_space<vmem>>
        %dma_wait3A_88 = arith.constant 0 : i32
        %dma_wait3A_89 = tpu.memref_slice %arg8[%sub3A_83, %dma_wait3A_88] : memref<250x80xi32, #tpu.memory_space<vmem>> -> memref<1x80xi32, #tpu.memory_space<vmem>>
        %dma_wait3A_90 = tpu.memref_squeeze %dma_wait3A_89 : memref<1x80xi32, #tpu.memory_space<vmem>> -> memref<80xi32, #tpu.memory_space<vmem>>
        %dma_wait3A_91 = arith.constant 0 : i32
        %dma_wait3A_92 = arith.constant 0 : i32
        %dma_wait3A_93 = tpu.memref_slice %arg10[%dma_wait3A_91, %dma_wait3A_92] : memref<10112x64xf32, #tpu.memory_space<vmem_shared>> -> memref<10112x64xf32, #tpu.memory_space<vmem_shared>>
        %dma_wait3A_94 = tpu.memref_slice %arg12[%rem3A_45] : memref<2x!tpu.dma_semaphore, #tpu.memory_space<semaphore_mem>> -> memref<1x!tpu.dma_semaphore, #tpu.memory_space<semaphore_mem>>
        %dma_wait3A_95 = tpu.memref_squeeze %dma_wait3A_94 : memref<1x!tpu.dma_semaphore, #tpu.memory_space<semaphore_mem>> -> memref<!tpu.dma_semaphore, #tpu.memory_space<semaphore_mem>>
        tpu.wait_indirect_dma semaphore(%dma_wait3A_95 : memref<!tpu.dma_semaphore, #tpu.memory_space<semaphore_mem>>) src(%dma_wait3A_87 : memref<80x64xf32, #tpu.memory_space<vmem>>) dst(%dma_wait3A_93 : memref<10112x64xf32, #tpu.memory_space<vmem_shared>>)
      } else {
      }
      %add3A_76 = arith.constant 1 : i32
      %add3A_77 = arith.addi %scan3A_40, %add3A_76 : i32
      %lt3A = arith.constant 250 : i32
      %lt3A_78 = arith.cmpi slt, %add3A_77, %lt3A : i32
      %convert_element_type3A_79 = arith.extui %lt3A_78 : i1 to i32
      %cond3A_80 = arith.constant 0 : i32
      %cond3A_81 = arith.cmpi ne, %convert_element_type3A_79, %cond3A_80 : i32
      scf.if %cond3A_81 {
        %add3A_83 = arith.constant 1 : i32
        %add3A_84 = arith.addi %scan3A_40, %add3A_83 : i32
        %dma_start3A_85 = arith.constant 0 : i32
        %dma_start3A_86 = arith.constant 0 : i32
        %dma_start3A_87 = tpu.memref_slice %arg9[%rem3A_45, %dma_start3A_85, %dma_start3A_86] : memref<2x80x64xf32, #tpu.memory_space<vmem>> -> memref<1x80x64xf32, #tpu.memory_space<vmem>>
        %dma_start3A_88 = tpu.memref_squeeze %dma_start3A_87 : memref<1x80x64xf32, #tpu.memory_space<vmem>> -> memref<80x64xf32, #tpu.memory_space<vmem>>
        %dma_start3A_89 = arith.constant 0 : i32
        %dma_start3A_90 = tpu.memref_slice %arg7[%add3A_84, %dma_start3A_89] : memref<250x80xi32, #tpu.memory_space<vmem>> -> memref<1x80xi32, #tpu.memory_space<vmem>>
        %dma_start3A_91 = tpu.memref_squeeze %dma_start3A_90 : memref<1x80xi32, #tpu.memory_space<vmem>> -> memref<80xi32, #tpu.memory_space<vmem>>
        %dma_start3A_92 = arith.constant 0 : i32
        %dma_start3A_93 = arith.constant 0 : i32
        %dma_start3A_94 = tpu.memref_slice %arg2[%arg0, %dma_start3A_92, %dma_start3A_93] : memref<2x10000x64xf32, #tpu.memory_space<hbm>> -> memref<1x10000x64xf32, #tpu.memory_space<hbm>>
        %dma_start3A_95 = tpu.memref_squeeze %dma_start3A_94 : memref<1x10000x64xf32, #tpu.memory_space<hbm>> -> memref<10000x64xf32, #tpu.memory_space<hbm>>
        %dma_start3A_96 = arith.constant 0 : i32
        %dma_start3A_97 = arith.constant 0 : i32
        %dma_start3A_98 = tpu.memref_slice %dma_start3A_95[%dma_start3A_96, %dma_start3A_97] : memref<10000x64xf32, #tpu.memory_space<hbm>> -> memref<10000x64xf32, #tpu.memory_space<hbm>>
        %dma_start3A_99 = tpu.memref_slice %arg11[%rem3A_45] : memref<2x!tpu.dma_semaphore, #tpu.memory_space<semaphore_mem>> -> memref<1x!tpu.dma_semaphore, #tpu.memory_space<semaphore_mem>>
        %dma_start3A_100 = tpu.memref_squeeze %dma_start3A_99 : memref<1x!tpu.dma_semaphore, #tpu.memory_space<semaphore_mem>> -> memref<!tpu.dma_semaphore, #tpu.memory_space<semaphore_mem>>
        tpu.enqueue_indirect_dma source(%dma_start3A_98 : memref<10000x64xf32, #tpu.memory_space<hbm>>) target(%dma_start3A_88 : memref<80x64xf32, #tpu.memory_space<vmem>>) offsets(%dma_start3A_91 : memref<80xi32, #tpu.memory_space<vmem>>) semaphore(%dma_start3A_100 : memref<!tpu.dma_semaphore, #tpu.memory_space<semaphore_mem>>)
      } else {
      }
      %scan3A_82 = arith.constant 0 : i32
      scf.yield %scan3A_82 : i32
    }
    %scan3A_24 = arith.constant 250 : i32
    %dma_wait3A = arith.constant 1 : i32
    %dma_wait3A_25 = arith.constant 249 : i32
    %dma_wait3A_26 = arith.constant 1 : i32
    %dma_wait3A_27 = arith.constant 0 : i32
    %dma_wait3A_28 = arith.constant 0 : i32
    %dma_wait3A_29 = tpu.memref_slice %arg9[%dma_wait3A, %dma_wait3A_27, %dma_wait3A_28] : memref<2x80x64xf32, #tpu.memory_space<vmem>> -> memref<1x80x64xf32, #tpu.memory_space<vmem>>
    %dma_wait3A_30 = tpu.memref_squeeze %dma_wait3A_29 : memref<1x80x64xf32, #tpu.memory_space<vmem>> -> memref<80x64xf32, #tpu.memory_space<vmem>>
    %dma_wait3A_31 = arith.constant 0 : i32
    %dma_wait3A_32 = tpu.memref_slice %arg8[%dma_wait3A_25, %dma_wait3A_31] : memref<250x80xi32, #tpu.memory_space<vmem>> -> memref<1x80xi32, #tpu.memory_space<vmem>>
    %dma_wait3A_33 = tpu.memref_squeeze %dma_wait3A_32 : memref<1x80xi32, #tpu.memory_space<vmem>> -> memref<80xi32, #tpu.memory_space<vmem>>
    %dma_wait3A_34 = arith.constant 0 : i32
    %dma_wait3A_35 = arith.constant 0 : i32
    %dma_wait3A_36 = tpu.memref_slice %arg10[%dma_wait3A_34, %dma_wait3A_35] : memref<10112x64xf32, #tpu.memory_space<vmem_shared>> -> memref<10112x64xf32, #tpu.memory_space<vmem_shared>>
    %dma_wait3A_37 = tpu.memref_slice %arg12[%dma_wait3A_26] : memref<2x!tpu.dma_semaphore, #tpu.memory_space<semaphore_mem>> -> memref<1x!tpu.dma_semaphore, #tpu.memory_space<semaphore_mem>>
    %dma_wait3A_38 = tpu.memref_squeeze %dma_wait3A_37 : memref<1x!tpu.dma_semaphore, #tpu.memory_space<semaphore_mem>> -> memref<!tpu.dma_semaphore, #tpu.memory_space<semaphore_mem>>
    tpu.wait_indirect_dma semaphore(%dma_wait3A_38 : memref<!tpu.dma_semaphore, #tpu.memory_space<semaphore_mem>>) src(%dma_wait3A_30 : memref<80x64xf32, #tpu.memory_space<vmem>>) dst(%dma_wait3A_36 : memref<10112x64xf32, #tpu.memory_space<vmem_shared>>)
    %barrier3A_39 = arith.constant 0 : index
    tpu.barrier barrier_id(%barrier3A_39)
    "tpu.region"() ({
      %run_scoped3A = tpu.sem_alloc : memref<!tpu.dma_semaphore, #tpu.memory_space<semaphore_mem>>
      %dma_start3A_40 = arith.constant 0 : i32
      %dma_start3A_41 = tpu.memref_slice %arg6[%arg0, %mul3A_0, %dma_start3A_40] : memref<2x10112x64xf32, #tpu.memory_space<hbm>> -> memref<1x632x64xf32, #tpu.memory_space<hbm>>
      %dma_start3A_42 = tpu.memref_squeeze %dma_start3A_41 : memref<1x632x64xf32, #tpu.memory_space<hbm>> -> memref<632x64xf32, #tpu.memory_space<hbm>>
      %dma_start3A_43 = arith.constant 0 : i32
      %dma_start3A_44 = tpu.memref_slice %arg10[%mul3A_0, %dma_start3A_43] : memref<10112x64xf32, #tpu.memory_space<vmem_shared>> -> memref<632x64xf32, #tpu.memory_space<vmem_shared>>
      tpu.enqueue_dma source(%dma_start3A_44 : memref<632x64xf32, #tpu.memory_space<vmem_shared>>) target(%dma_start3A_42 : memref<632x64xf32, #tpu.memory_space<hbm>>) target_semaphore(%run_scoped3A : memref<!tpu.dma_semaphore, #tpu.memory_space<semaphore_mem>>)
      %dma_wait3A_45 = arith.constant 0 : i32
      %dma_wait3A_46 = tpu.memref_slice %arg6[%arg0, %mul3A_0, %dma_wait3A_45] : memref<2x10112x64xf32, #tpu.memory_space<hbm>> -> memref<1x632x64xf32, #tpu.memory_space<hbm>>
      %dma_wait3A_47 = tpu.memref_squeeze %dma_wait3A_46 : memref<1x632x64xf32, #tpu.memory_space<hbm>> -> memref<632x64xf32, #tpu.memory_space<hbm>>
      %dma_wait3A_48 = arith.constant 0 : i32
      %dma_wait3A_49 = tpu.memref_slice %arg10[%mul3A_0, %dma_wait3A_48] : memref<10112x64xf32, #tpu.memory_space<vmem_shared>> -> memref<632x64xf32, #tpu.memory_space<vmem_shared>>
      tpu.wait_dma2 semaphore(%run_scoped3A : memref<!tpu.dma_semaphore, #tpu.memory_space<semaphore_mem>>) src(%dma_wait3A_49 : memref<632x64xf32, #tpu.memory_space<vmem_shared>>) dst(%dma_wait3A_47 : memref<632x64xf32, #tpu.memory_space<hbm>>)
      tpu.yield
    }) : () -> ()
    return
  }
}

</mosaic_0001>

<sc_bundles>
// kernel: _sc_seg_sum.3.cloned.1.call-start
scs
__scs_entry_jumppad:
0x0: {  	(pc) =	sbr.rel $0x88, $3  }
0x1: {  	(tag) =	ssettag $0x0;
	lr =	simm.s32 $0x1  }
0x2: {  	[smem:$0x3F9D] =	sst lr;
	_ =	strace $0xD0000000  }
0x3: {  	_ = 	snop  }
0x4: {  	_ = 	snop  }
0x5: {  	_ = 	snop  }
0x6: {  	_ = 	snop  }
0x7: {  	_ = 	snop  }
__scs_overlays_trampoline_lowered:
0x8: {  	[smem:$0x3FAC] =	sst s0  }
0x9: {  	[smem:$0x3FAD] =	sst s1  }
0xa: {  	[smem:$0x3FAE] =	sst s2  }
0xb: {  	[smem:$0x3FAF] =	sst s3  }
0xc: {  	[smem:$0x3FB0] =	sst s4  }
0xd: {  	[smem:$0x3FB1] =	sst s5  }
0xe: {  	[smem:$0x3FB2] =	sst s6  }
0xf: {  	[smem:$0x3FB3] =	sst s7  }
0x10: {  	[smem:$0x3FB4] =	sst s8  }
0x11: {  	[smem:$0x3FB5] =	sst s9;
	s0 =	simm.s32 @!p0 $0x0  }
0x12: {  	s1 =	sld [smem:$0x3F9B];
	s0 =	simm.s32 @p0 $0x1  }
0x13: {  	[smem:$0x3FB6] =	sst s0;
	s0 =	simm.s32 @!p1 $0x0  }
0x14: {  	s2 =	sld [smem:$0x3F9A];
	s0 =	simm.s32 @p1 $0x1  }
0x15: {  	[smem:$0x3FB7] =	sst s0;
	s0 =	simm.s32 @!p2 $0x0  }
0x16: {  	s3 =	sld [smem:$0x3FDB];
	s0 =	simm.s32 @p2 $0x1  }
0x17: {  	s4 =	simm.s32 $0x1BF5;
	[smem:$0x3FB9] =	sst s0  }
0x18: {  	s0 =	sld [smem:$0x3F9C];
	_ =	swait.ge [sflag:s4], $0x0  }
0x19: {  	s7 =	sld [smem:$0x3F9D]  }
0x1a: {  	s8 =	sadd.s32 $0xFFFFE003, lr  }
0x1b: {  	s9 =	sadd.s32 $0xFFFFFEF7, lr;
	s5 =	simm.s32 $0xFFFFFFFF;
	p2 =	slt.u32 s8, $0xFFFFF086  }
0x1c: {  	p1 =	slt.u32 s9, $0xF7A;
	s5 =	simm.s32 @!p2 $0x0  }
0x1d: {  	s5 =	simm.s32 @p1 $0x1;
	p0 =	seq.s32 s7, s2  }
0x1e: {  	s7 =	smul.u32 @!p0 $0xF7A, s2;
	p2 =	seq.s32 @!p0 s5, $0x0  }
0x1f: {  	s9 =	smul.u32 $0xF7A, s1;
	s8 =	simm.s32 @!p0 $0x1BF5;
	p2 =	por !p2, p0  }
0x20: {  	[sflag:s8] =	ssyncset.s32 @!p0 $0xFFFFF086;
	s6 =	sadd.s32 @!p0 s3, s7;
	s7 =	simm.s32 @!p0 $0x108  }
0x21: {  	s3 =	sadd.s32 s3, s9;
	s6 =	sadd.s32 @!p0 $0x88, s6;
	s7 =	simm.s32 @p2 $0x1082  }
0x22: {  	[simem:s7], [sflag:s8] =	dma.local @!p0 [hbm:s6], $0xF7A  }
0x23: {  	s9 =	sor.u32 $0xD0000000, s2;
	s6 =	simm.s32 $0x108;
	_ =	swait.ge @!p0 [sflag:s8], $0x0  }
0x24: {  	s3 =	sadd.s32 $0x88, s3;
	s6 =	simm.s32 @!p1 $0x1082;
	[sflag:s4] =	ssyncset.s32 $0xFFFFF086  }
0x25: {  	[simem:s6], [sflag:s4] =	dma.local [hbm:s3], $0xF7A  }
0x26: {  	[smem:$0x3F9D] =	sst s1;
	(tag) =	ssettag s2;
	_ =	strace s9  }
0x27: {  	s1 =	sld [smem:$0x3FAD]  }
0x28: {  	s2 =	sld [smem:$0x3FAE]  }
0x29: {  	s4 =	sld [smem:$0x3FB0]  }
0x2a: {  	p0 =	seq.s32 s5, $0x0;
	s5 =	sld [smem:$0x3FB1]  }
0x2b: {  	s6 =	sld [smem:$0x3FB2]  }
0x2c: {  	s7 =	sld [smem:$0x3FB3]  }
0x2d: {  	s3 =	simm.s32 $0x108;
	s8 =	sld [smem:$0x3FB4]  }
0x2e: {  	s3 =	simm.s32 @!p0 $0x1082;
	s9 =	sld [smem:$0x3FB5]  }
0x2f: {  	lr =	sadd.s32 s0, s3;
	s0 =	sld [smem:$0x3FAC]  }
0x30: {  	s3 =	sld [smem:$0x3FAF]  }
0x31: {  	[smem:$0x3FB8] =	sst s10  }
0x32: {  	s10 =	sld [smem:$0x3FB6];
	_ =	sdelay $0x3  }
0x33: {  	p0 =	seq.s32 s10, $0x1;
	s10 =	sld [smem:$0x3FB8];
	_ =	sdelay $0x3  }
0x34: {  	[smem:$0x3FB8] =	sst s10  }
0x35: {  	s10 =	sld [smem:$0x3FB7];
	_ =	sdelay $0x3  }
0x36: {  	p1 =	seq.s32 s10, $0x1;
	s10 =	sld [smem:$0x3FB8];
	_ =	sdelay $0x3  }
0x37: {  	[smem:$0x3FB8] =	sst s10  }
0x38: {  	s10 =	sld [smem:$0x3FB9]  }
0x39: {  	_ = 	snop;
	(pc) =	sbr.ind lr, $3  }
0x3a: {  	_ = 	snop  }
0x3b: {  	_ = 	snop  }
0x3c: {  	p2 =	seq.s32 s10, $0x1;
	s10 =	sld [smem:$0x3FB8]  }
0x3d: {  	_ =	shalt  }
0x3e: {  	_ =	shalt  }
0x3f: {  	_ =	shalt  }
0x40: {  	_ =	shalt  }
0x41: {  	_ =	shalt  }
0x42: {  	_ =	shalt  }
0x43: {  	_ =	shalt  }
0x44: {  	_ =	shalt  }
0x45: {  	_ =	shalt  }
0x46: {  	_ =	shalt  }
0x47: {  	_ =	shalt  }
0x48: {  	_ =	shalt  }
0x49: {  	_ =	shalt  }
0x4a: {  	_ =	shalt  }
0x4b: {  	_ =	shalt  }
0x4c: {  	_ =	shalt  }
0x4d: {  	_ =	shalt  }
0x4e: {  	_ =	shalt  }
0x4f: {  	_ =	shalt  }
0x50: {  	_ =	shalt  }
0x51: {  	_ =	shalt  }
0x52: {  	_ =	shalt  }
0x53: {  	_ =	shalt  }
0x54: {  	_ =	shalt  }
0x55: {  	_ =	shalt  }
0x56: {  	_ =	shalt  }
0x57: {  	_ =	shalt  }
0x58: {  	_ =	shalt  }
0x59: {  	_ =	shalt  }
0x5a: {  	_ =	shalt  }
0x5b: {  	_ =	shalt  }
0x5c: {  	_ =	shalt  }
0x5d: {  	_ =	shalt  }
0x5e: {  	_ =	shalt  }
0x5f: {  	_ =	shalt  }
0x60: {  	_ =	shalt  }
0x61: {  	_ =	shalt  }
0x62: {  	_ =	shalt  }
0x63: {  	_ =	shalt  }
0x64: {  	_ =	shalt  }
0x65: {  	_ =	shalt  }
0x66: {  	_ =	shalt  }
0x67: {  	_ =	shalt  }
0x68: {  	_ =	shalt  }
0x69: {  	_ =	shalt  }
0x6a: {  	_ =	shalt  }
0x6b: {  	_ =	shalt  }
0x6c: {  	_ =	shalt  }
0x6d: {  	_ =	shalt  }
0x6e: {  	_ =	shalt  }
0x6f: {  	_ =	shalt  }
0x70: {  	_ =	shalt  }
0x71: {  	_ =	shalt  }
0x72: {  	_ =	shalt  }
0x73: {  	_ =	shalt  }
0x74: {  	_ =	shalt  }
0x75: {  	_ =	shalt  }
0x76: {  	_ =	shalt  }
0x77: {  	_ =	shalt  }
0x78: {  	_ =	shalt  }
0x79: {  	_ =	shalt  }
0x7a: {  	_ =	shalt  }
0x7b: {  	_ =	shalt  }
0x7c: {  	_ =	shalt  }
0x7d: {  	_ =	shalt  }
0x7e: {  	_ =	shalt  }
0x7f: {  	_ =	shalt  }
0x80: {  	_ =	shalt  }
0x81: {  	_ =	shalt  }
0x82: {  	_ =	shalt  }
0x83: {  	_ =	shalt  }
0x84: {  	_ =	shalt  }
0x85: {  	_ =	shalt  }
0x86: {  	_ =	shalt  }
0x87: {  	_ =	shalt  }
.Lfunc_end0:
.L_simem_size_0:
called_computation_lowered:
.L_overlay_start_0:
0x88: {  	s2 =	sld [smem:$0x3FD9]  }
0x89: {  	s3 =	sld [smem:$0x3FFE];
	_ =	sdelay $0x1  }
0x8a: {  	s1 =	srdreg.scid  }
0x8b: {  	s0 =	sand.u32 $0x1, s1  }
0x8c: {  	s17 =	sshll.u32 s0, $0xA;
	s2 =	sadd.s32 s3, s2  }
0x8d: {  	s2 =	sadd.s32 s2, s17  }
0x8e: {  	[smem:$0x3FC4] =	sst s2  }
0x8f: {  	_ = 	snop  }
0x90: {  	s2 =	sld [smem:$0x3FD0];
	(tm) =	ssettm $0x1  }
0x91: {  	s18 =	sld [smem:$0x3FFB];
	_ =	sdelay $0x3  }
0x92: {  	_ =	strace s18  }
0x93: {  	s3 =	sld [smem:$0x3FFC];
	_ =	sdelay $0x3  }
0x94: {  	_ =	strace s3  }
0x95: {  	s3 =	sld [smem:$0x3FFD];
	_ =	sdelay $0x3  }
0x96: {  	_ =	strace s3  }
0x97: {  	_ =	strace $0x8FFFFFFF  }
0x98: {  	s19 =	sld [smem:$0x3FDB];
	_ =	sdelay $0x1  }
0x99: {  	s4 =	simm.s32 $_scs_section_size  }
0x9a: {  	s5 =	simm.s32 $_size__tile_overlayer_lowered;
	s6 =	simm.s32 $_tile_overlayer_lowered  }
0x9b: {  	s22 =	simm.s32 $0x1BFF;
	s21 =	sshll.u32 s6, $0x1;
	s3 =	sadd.s32 s4, s19  }
0x9c: {  	s7 =	simm.s32 $0x0;
	s20 =	sshll.u32 s5, $0x1;
	s5 =	sadd.s32 s21, s3  }
0x9d: {  	[timem:s7], [sflag:s22] =	dma.local [hbm:s5], s20  }
0x9e: {  	_ =	swait.ge [sflag:s22], s20  }
0x9f: {  	s4 =	ssub.s32 $0x0, s20;
	[sflag:s22] =	ssyncset.done $0x0  }
0xa0: {  	[sflag:s22] =	ssyncadd.s32 s4;
	_ =	sdelay $0x1  }
0xa1: {  	s23 =	simm.s32 $0x1B8B  }
0xa2: {  	_ =	swait.ge [sflag:s23], $0x1  }
0xa3: {  	[sflag:s23] =	ssyncset.done $0x0  }
0xa4: {  	s25 =	simm.s32 $0x1B8E;
	s24 =	sld [smem:$0x3FFE];
	[sflag:s23] =	ssyncadd.s32 $0xFFFFFFFF  }
0xa5: {  	s26 =	simm.s32 $execute0_lowered;
	[smem:$0x3FD2] =	sst s25  }
0xa6: {  	s5 =	sshll.u32 s26, $0x1;
	_ =	strace $0x80000046;
	[dreg:$0x1] =	wrdreg $0xFFFFFFFF  }
0xa7: {  	s28 =	simm.s32 $_size_execute0_lowered;
	s3 =	sadd.s32 s3, s5;
	[dreg:$0x0] =	wrdreg $0x0  }
0xa8: {  	s5 =	sshll.u32 s28, $0x1;
	[dreg:$0x2] =	wrdreg s3  }
0xa9: {  	[dreg:$0x3] =	wrdreg s5  }
0xaa: {  	[dreg:$0x4] =	wrdreg $0xC0  }
0xab: {  	_ =	task [dreg:s7], $0x5FFFF  }
0xac: {  	[dreg:$0x1] =	wrdreg $0xFFFFFFFF  }
0xad: {  	[dreg:$0x0] =	wrdreg $0x60  }
0xae: {  	[dreg:$0x2] =	wrdreg s24  }
0xaf: {  	[dreg:$0x3] =	wrdreg s2  }
0xb0: {  	[dreg:$0x4] =	wrdreg $0xC4400  }
0xb1: {  	[dreg:$0x5] =	wrdreg $0x9  }
0xb2: {  	_ =	task.clear_ibuf [dreg:s7], $0x6FFFF;
	_ =	strace $0x90000046  }
0xb3: {  	s29 =	simm.s32 $0x9;
	_ =	strace $0x80000048  }
0xb4: {  	_ =	swait.ge [sflag:s29], $0x1  }
0xb5: {  	[sflag:s29] =	ssyncadd.s32 $0xFFFFFFFF  }
0xb6: {  	_ =	strace $0x90000048  }
0xb7: {  	_ =	sfence  }
0xb8: {  	s30 =	sld [smem:$0x0];
	_ =	sdelay $0x2  }
0xb9: {  	s31 =	sshll.u32 s1, $0xD;
	s1 =	sshrl.u32 s1, $0x2  }
0xba: {  	s3 =	sand.u32 $0x4000, s31;
	s1 =	sadd.s32 s1, s30  }
0xbb: {  	s0 =	sor.u32 s3, s0;
	s1 =	sshll.u32 s1, $0x11  }
0xbc: {  	s0 =	sor.u32 s1, s0  }
0xbd: {  	s0 =	sadd.s32 $0x8F2B, s0  }
0xbe: {  	[sflag:s0] =	ssyncadd.remote.s32 $0x1  }
0xbf: {  	_ =	sfence.sel $0xFFFF  }
0xc0: {  	[dreg:$0x0] =	wrdreg $0xFFFFFFFF;
	(pc) =	sbr.abs _section_cstart, $3  }
0xc1: {  	[dreg:$0x1] =	wrdreg $0xFFFFFFFF  }
0xc2: {  	_ =	task.clear_ibuf [dreg:s7], $0x2FFFF;
	_ =	strace $0x9FFFFFFF  }
0xc3: {  	(tm) =	ssettm $0x7FFFFFFF  }
tec
execute0_lowered:
.L_overlay_start_1:
0x0: {  	(tag) =	ssettag $0x1  }
0x1: {  	s4 =	rddreg [dreg:$0x0]  }
0x2: {  	s9 =	rddreg [dreg:$0x1];
	s0 =	srdreg.scid  }
0x3: {  	s2 =	rddreg [dreg:$0x2];
	s1 =	stileid.u32  }
0x4: {  	s3 =	simm.s32 $0x0;
	s14 =	simm.s32 $0x50;
	s15 =	simm.s32 $0x9C40  }
0x5: {  	s16 =	simm.s32 $0x1;
	s17 =	simm.s32 $0xB040;
	s18 =	simm.s32 $0x4  }
0x6: {  	s5 =	sand.u32 $0x1, s0;
	s0 =	rddreg [dreg:$0x3];
	s7 =	smul.u32 $0x9C4, s1  }
0x7: {  	s19 =	simm.s32 $0x0;
	[smem:$0x7FF] =	sst s3;
	s8 =	smul.u32 $0x9E00, s1  }
0x8: {  	s31 =	sshll.u32 s1, $0x6;
	s6 =	smul.u32 $0x13880, s5;
	_ =	strace $0x80000047  }
0x9: {  	s11 =	ssub.s32 $0x2, s5;
	s12 =	smul.u32 $0x9E000, s5;
	s5 =	sor.u32 $0x1C05, s31  }
0xa: {  	s7 =	sadd.s32 s7, s4;
	s29 =	sshrl.u32 s8, $0x3;
	s30 =	sshrl.u32 s11, $0x1  }
0xb: {  	s13 =	sadd.s32 s8, s2;
	s10 =	sadd.s32 s6, s4;
	s4 =	sadd.s32 s29, s4  }
0xc: {  	s11 =	ssub.s32 s11, s30;
	s8 =	sadd.s32 s8, s12;
	s6 =	sadd.s32 $0x45600, s7  }
0xd: {  	s7 =	sadd.s32 $0x3B800, s7;
	s4 =	sadd.s32 $0x27C00, s4;
	s12 =	sshrl.u32 s8, $0x3  }
0xe: {  	s8 =	sadd.s32 $0xA00, s10;
	s10 =	smax.u32 s11, $0x1;
	s11 =	sshrl.u32 s13, $0x3  }
0xf: {  	s13 =	simm.s32 $0x4E20;
	s9 =	sadd.s32 s9, s12;
	s12 =	simm.s32 $0x5  }
.LBB2_1:
0x10: {  	[spmem:s11], [sflag:s5] =	dma.local [hbm:s4], $0x13C0  }
0x11: {  	_ =	swait.ge [sflag:s12], $0x13C0  }
0x12: {  	[sflag:s12] =	ssyncset.done $0x0  }
0x13: {  	[sflag:s12] =	ssyncadd.s32 $0xFFFFEC40  }
0x14: {  	[tilespmem:s3], [sflag:$0x5] =	stream.linear.gather [hbm4b:s6+s3], $0x4E20, $0x38;
	[tilespmem:$0x16240] =	vst v63  }
0x15: {  	_ =	swait.ge [sflag:s12], $0x4E20  }
0x16: {  	[sflag:s12] =	ssyncset.done $0x0  }
0x17: {  	[sflag:s12] =	ssyncadd.s32 $0xFFFFB1E0  }
0x18: {  	[tilespmem:s13], [sflag:$0x5] =	stream.linear.gather [hbm4b:s7+s3], $0x4E20, $0x38;
	[tilespmem:$0x16240] =	vst v63  }
0x19: {  	_ =	swait.ge [sflag:s12], $0x4E20  }
0x1a: {  	[sflag:s12] =	ssyncset.done $0x0  }
0x1b: {  	[sflag:s12] =	ssyncadd.s32 $0xFFFFB1E0  }
0x1c: {  	[bflag:$0x0] =	sbarrier.arrive $0xFFFF  }
0x1d: {  	[tilespmem:s15], [sflag:$0x1] =	stream.indirect.gather [hbm4b:s8+s14], $0x40, s3, s14, $0xb8;
	[tilespmem:$0x16240] =	vst v63  }
0x1e: {  	_ =	swait.ge [sflag:s16], $0x1400  }
0x1f: {  	[sflag:s16] =	ssyncset.done $0x0  }
0x20: {  	[sflag:s16] =	ssyncadd.s32 $0xFFFFEC00  }
0x21: {  	[spmem:s2] =	stream.indirect.scatter.add.f32 [tilespmem:s15], [sflag:$0x3], $0x40, s13, s14, $0xb8;
	[tilespmem:$0x16240] =	vst v63  }
0x22: {  	s20 =	simm.s32 $0x4E70;
	s21 =	simm.s32 $0x2;
	s22 =	simm.s32 $0xA0  }
0x23: {  	[tilespmem:s17], [sflag:$0x2] =	stream.indirect.gather [hbm4b:s8+s14], $0x40, s14, s14, $0xb8;
	[tilespmem:$0x16240] =	vst v63  }
.LBB2_2:
0x24: {  	s23 =	sadd.s32 $0xFFFFFFFF, s21  }
0x25: {  	s23 =	sand.u32 $0x1, s23  }
0x26: {  	p0 =	seq.s32 s21, $0xFA;
	s24 =	smul.u32 $0x5000, s23;
	s25 =	sadd.s32 $0x1, s23  }
0x27: {  	s26 =	sand.u32 $0x1, s21;
	s21 =	sadd.s32 @!p0 $0x1, s21;
	_ =	swait.ge [sflag:s25], $0x1400  }
0x28: {  	s23 =	sadd.s32 $0x3, s23;
	s24 =	sshrl.u32 s24, $0x2;
	[sflag:s25] =	ssyncset.done $0x0  }
0x29: {  	p1 =	sne.s32 @!p0 s21, $0xFB;
	s24 =	sadd.s32 $0x9C40, s24;
	[sflag:s25] =	ssyncadd.s32 $0xFFFFEC00  }
0x2a: {  	[spmem:s2] =	stream.indirect.scatter.add.f32 [tilespmem:s24], [sflag:s23], $0x40, s20, s14, $0xb8;
	[tilespmem:$0x16240] =	vst v63  }
0x2b: {  	s31 =	sadd.s32 $0x3, s26;
	p1 =	por p0, !p1;
	s24 =	smul.u32 @!p0 $0x5000, s26  }
.Ltmp0:
0x2c: {  	_ =	swait.ge [sflag:s31], $0x1400;
	(pc) =	sbr.rel @!p1 .LBB2_2-.Ltmp0, $4  }
0x2d: {  	s25 =	simm.s32 @!p0 $0x50;
	[sflag:s31] =	ssyncset.done $0x0;
	s23 =	sshrl.u32 @!p0 s24, $0x2  }
0x2e: {  	s24 =	sadd.s32 @!p0 $0x1, s26;
	[sflag:s31] =	ssyncadd.s32 $0xFFFFEC00;
	s23 =	sadd.s32 @!p0 $0x9C40, s23  }
0x2f: {  	[tilespmem:s23], [sflag:s24] =	stream.indirect.gather @!p0 [hbm4b:s8+s25], $0x40, s22, s25, $0xb8;
	[tilespmem:$0x16240] =	vst v63  }
0x30: {  	s20 =	sadd.s32 @!p0 $0x50, s20;
	s22 =	sadd.s32 @!p0 $0x50, s22  }
0x31: {  	_ =	swait.ge [sflag:s18], $0x1400  }
0x32: {  	s19 =	sadd.s32 $0x1, s19;
	[sflag:s18] =	ssyncset.done $0x0  }
0x33: {  	p0 =	sne.s32 s19, s10;
	[sflag:s18] =	ssyncadd.s32 $0xFFFFEC00  }
.Ltmp1:
0x34: {  	[bflag:$0x0] =	sbarrier.arrive $0xFFFF;
	(pc) =	sbr.rel @p0 .LBB2_1-.Ltmp1, $4  }
0x35: {  	[hbm:s9], [sflag:s5] =	dma.local [spmem:s11], $0x13C0  }
0x36: {  	_ =	swait.ge [sflag:s12], $0x13C0  }
0x37: {  	[sflag:s12] =	ssyncset.done $0x0  }
0x38: {  	[sflag:s12] =	ssyncadd.s32 $0xFFFFEC40  }
0x39: {  	_ =	sfence.sel $0x180000  }
0x3a: {  	[bflag:$0x0] =	sbarrier.arrive $0xFFFF  }
0x3b: {  	p0 =	sne.s32 s1, $0x0;
	_ =	strace $0x90000047  }
0x3c: {  	s0 =	sadd.s32 @!p0 $0x100000, s0;
	[bflag:$0x2] =	sbarrier.arrive $0xFFFF  }
0x3d: {  	[sflag:s0] =	ssyncadd.tile.s32 @!p0 $0x1;
	_ =	shalt  }
.Lfunc_end2:
_tile_overlayer_lowered:
.L_overlay_start_2:
0x3e: {  	(tag) =	ssettag $0x2  }
0x3f: {  	s0 =	rddreg [dreg:$0x0];
	s2 =	stileid.u32  }
0x40: {  	s1 =	rddreg [dreg:$0x1];
	p0 =	sne.s32 s2, $0x0  }
0x41: {  	s3 =	rddreg [dreg:$0x2];
	[bflag:$0x3] =	sbarrier.arrive $0xFFFF;
	s2 =	simm.s32 @!p0 $0x1C05  }
0x42: {  	[timem:s3], [sflag:s2] =	dma.local @!p0 [hbm:s0], s1  }
0x43: {  	s0 =	simm.s32 @!p0 $0x5  }
0x44: {  	_ =	swait.ge @!p0 [sflag:s0], s1  }
0x45: {  	s1 =	ssub.s32 @!p0 $0x0, s1;
	[sflag:s0] =	ssyncset.done @!p0 $0x0  }
0x46: {  	[sflag:s0] =	ssyncadd.s32 @!p0 s1  }
0x47: {  	[bflag:$0x3] =	sbarrier.arrive $0xFFFF  }
0x48: {  	_ =	shalt  }

</sc_bundles>
